<compile_context>
chip_gen: v7x
topology: tpu7x:2x2x1
jax: 0.10.2.dev20260603
libtpu: 0.0.44.dev20260713+nightly
codegen_flags: <defaults>
</compile_context>

<pallas_src>
import functools

import jax
import jax.numpy as jnp
from jax import lax
from jax.experimental import pallas as pl
from jax.experimental.pallas import tpu as pltpu
from jax.experimental.pallas import tpu_sc as plsc

N = 20000
MAX_OUT = 300
IOU_THRESH = 0.5
NEG_F = -1e30
L = 16
NW = 16
N_PAD = 20480
PER_W = N_PAD // NW
CHUNKS = PER_W // L
DUMMY = 3e9
BIG = 4e9


def _nms_body(x1_hbm, y1_hbm, x2_hbm, y2_hbm, s_hbm, out_hbm,
              x1_v, y1_v, x2_v, y2_v, ar_v, sw_v,
              rec_v, all_v, out_v, shared):
    c = lax.axis_index("c")
    s = lax.axis_index("s")
    base = s * PER_W

    pltpu.sync_copy(x1_hbm.at[pl.ds(base, PER_W)], x1_v)
    pltpu.sync_copy(y1_hbm.at[pl.ds(base, PER_W)], y1_v)
    pltpu.sync_copy(x2_hbm.at[pl.ds(base, PER_W)], x2_v)
    pltpu.sync_copy(y2_hbm.at[pl.ds(base, PER_W)], y2_v)
    pltpu.sync_copy(s_hbm.at[pl.ds(base, PER_W)], sw_v)

    def init_chunk(j, carry):
        sl = pl.ds(j * L, L)
        ar_v[sl] = (x2_v[sl] - x1_v[sl]) * (y2_v[sl] - y1_v[sl])
        return carry
    lax.fori_loop(0, CHUNKS, init_chunk, 0)

    iota = lax.iota(jnp.int32, L)
    iotaf = iota.astype(jnp.float32)
    zeros_i = jnp.zeros((L,), jnp.int32)
    neg_f = jnp.float32(NEG_F)
    half = jnp.float32(IOU_THRESH)
    eps = jnp.float32(1e-9)
    so0 = plsc.load_gather(sw_v, [zeros_i])[0]

    def outer(i, carry):
        bx1, by1, bx2, by2, bar = carry

        @plsc.parallel_loop(
            0, PER_W, L, unroll=2,
            carry=(jnp.full((L,), -3.4e38, jnp.float32),
                   jnp.full((L,), BIG, jnp.float32),
                   iotaf + jnp.float32(base)))
        def pass_result(j, pc):
            run_val, run_idx, idxv = pc
            sl = pl.ds(j, L)
            xx1 = jnp.maximum(x1_v[sl], bx1)
            yy1 = jnp.maximum(y1_v[sl], by1)
            xx2 = jnp.minimum(x2_v[sl], bx2)
            yy2 = jnp.minimum(y2_v[sl], by2)
            w = jnp.maximum(xx2 - xx1, jnp.float32(0.0))
            h = jnp.maximum(yy2 - yy1, jnp.float32(0.0))
            inter = w * h
            sup = inter > half * (ar_v[sl] + bar - inter + eps)
            ns = jnp.where(sup, neg_f, sw_v[sl])
            sw_v[sl] = ns
            gt = ns > run_val
            run_val = jnp.maximum(run_val, ns)
            run_idx = jnp.where(gt, idxv, run_idx)
            return run_val, run_idx, idxv + jnp.float32(L)

        run_val, run_idx, _ = pass_result

        m = jnp.max(run_val)
        li = jnp.min(jnp.where(run_val == m, run_idx, jnp.float32(BIG)))
        lov = zeros_i + (li.astype(jnp.int32) - base)

        rec = jnp.where(iota == 0, m, jnp.float32(0.0))
        rec = jnp.where(iota == 1, li, rec)
        for k, arr in ((2, x1_v), (3, y1_v), (4, x2_v), (5, y2_v)):
            rec = jnp.where(iota == k, plsc.load_gather(arr, [lov]), rec)
        rec = jnp.where(iota == 6, jnp.where(m == neg_f, so0, m), rec)
        rec_v[...] = rec

        p = (i & 1) * (NW * L)
        pltpu.sync_copy(rec_v, shared.at[pl.ds(p + s * L, L)])
        plsc.subcore_barrier()
        pltpu.sync_copy(shared.at[pl.ds(p, NW * L)], all_v)

        vals = plsc.load_gather(all_v, [iota * L])
        gm = jnp.max(vals)
        wl = jnp.min(jnp.where(vals == gm, iota, L))
        rec_win = plsc.load_gather(all_v, [wl * L + iota])
        nx1 = rec_win[2]
        ny1 = rec_win[3]
        nx2 = rec_win[4]
        ny2 = rec_win[5]
        nar = (nx2 - nx1) * (ny2 - ny1)

        orow = jnp.zeros((L,), jnp.float32)
        for k, val in enumerate((nx1, ny1, nx2, ny2, rec_win[6])):
            orow = jnp.where(iota == k, val, orow)
        out_v[i] = orow

        return nx1, ny1, nx2, ny2, nar

    dummy = jnp.float32(DUMMY)
    lax.fori_loop(0, MAX_OUT, outer,
                  (dummy, dummy, dummy, dummy, jnp.float32(0.0)))

    @pl.when((c == 0) & (s == 0))
    def _():
        pltpu.sync_copy(out_v, out_hbm)


@functools.partial(
    pl.kernel,
    out_type=jax.ShapeDtypeStruct((MAX_OUT, L), jnp.float32),
    mesh=plsc.VectorSubcoreMesh(core_axis_name="c", subcore_axis_name="s"),
    compiler_params=pltpu.CompilerParams(needs_layout_passes=False),
    scratch_types=[
        pltpu.VMEM((PER_W,), jnp.float32),
        pltpu.VMEM((PER_W,), jnp.float32),
        pltpu.VMEM((PER_W,), jnp.float32),
        pltpu.VMEM((PER_W,), jnp.float32),
        pltpu.VMEM((PER_W,), jnp.float32),
        pltpu.VMEM((PER_W,), jnp.float32),
        pltpu.VMEM((L,), jnp.float32),
        pltpu.VMEM((NW * L,), jnp.float32),
        pltpu.VMEM((MAX_OUT, L), jnp.float32),
        pltpu.VMEM_SHARED((2 * NW * L,), jnp.float32),
    ],
)
def _nms_sc(*refs):
    _nms_body(*refs)


@jax.jit
def kernel(boxes, scores):
    pad = N_PAD - N
    x1 = jnp.pad(boxes[:, 0], (0, pad))
    y1 = jnp.pad(boxes[:, 1], (0, pad))
    x2 = jnp.pad(boxes[:, 2], (0, pad))
    y2 = jnp.pad(boxes[:, 3], (0, pad))
    sp = jnp.pad(scores, (0, pad), constant_values=NEG_F)
    out = _nms_sc(x1, y1, x2, y2, sp)
    return out[:, :5]

# --- scband reference (transcript-rebuilt; emitter-appended) ---
"""Pipeline reference for scband-mtcnn-19739669692471 (READ-ONLY COPY).

The authoritative reference and input builder live on the scoring server;
editing this copy changes nothing except your own understanding.
"""

import jax, jax.numpy as jnp
import numpy as np

N = 20000
MAX_OUT = 300
IOU_THRESH = 0.5
NEG = jnp.float32(-1e30)


def setup_inputs(seed: int = 0) -> dict:
    key = jax.random.key(seed)
    k1, k2, k3 = jax.random.split(key, 3)
    xy = jax.random.uniform(k1, (N, 2), dtype=jnp.float32) * 1000.0
    wh = jax.random.uniform(k2, (N, 2), dtype=jnp.float32) * 100.0 + 1.0
    boxes = jnp.concatenate([xy, xy + wh], axis=1)  # [N,4] x1,y1,x2,y2 valid
    scores = jax.random.uniform(k3, (N,), dtype=jnp.float32)
    return {"boxes": boxes, "scores": scores}


def _greedy_nms(boxes, scores):
    # Greedy NMS as used in the MTCNN filter stage: repeatedly pick the
    # highest-scoring box, suppress all boxes with IoU > threshold, gather
    # the kept boxes/scores.
    x1 = boxes[:, 0]
    y1 = boxes[:, 1]
    x2 = boxes[:, 2]
    y2 = boxes[:, 3]
    areas = (x2 - x1) * (y2 - y1)
    idx_all = jnp.arange(N)

    def step(s, _):
        best = jnp.argmax(s)
        bx1 = x1[best]
        by1 = y1[best]
        bx2 = x2[best]
        by2 = y2[best]
        barea = areas[best]
        xx1 = jnp.maximum(x1, bx1)
        yy1 = jnp.maximum(y1, by1)
        xx2 = jnp.minimum(x2, bx2)
        yy2 = jnp.minimum(y2, by2)
        inter = jnp.clip(xx2 - xx1, 0.0) * jnp.clip(yy2 - yy1, 0.0)
        iou = inter / (areas + barea - inter + 1e-9)
        suppress = (iou > IOU_THRESH) | (idx_all == best)
        s_new = jnp.where(suppress, NEG, s)
        return s_new, best.astype(jnp.int32)

    _, keep = jax.lax.scan(step, scores, None, length=MAX_OUT)
    keep_boxes = jnp.take(boxes, keep, axis=0)      # gather [MAX_OUT,4]
    keep_scores = jnp.take(scores, keep, axis=0)    # gather [MAX_OUT]
    return jnp.concatenate([keep_boxes, keep_scores[:, None]], axis=1)


def reference(boxes, scores):
    return _greedy_nms(boxes, scores)

if __name__ == "__main__":
    import jax
    _d = setup_inputs()
    print(jax.jit(kernel)(*tuple(_d.values())))

</pallas_src>

<mosaic_0001>
#map = affine_map<(d0, d1) -> (0)>
#map1 = affine_map<(d0, d1) -> (0, 0)>
module attributes {stable_mosaic.version = 14 : i64} {
  func.func @_nms_sc(%arg0: i32, %arg1: i32, %arg2: memref<20480xf32, #tpu.memory_space<hbm>>, %arg3: memref<20480xf32, #tpu.memory_space<hbm>>, %arg4: memref<20480xf32, #tpu.memory_space<hbm>>, %arg5: memref<20480xf32, #tpu.memory_space<hbm>>, %arg6: memref<20480xf32, #tpu.memory_space<hbm>>, %arg7: memref<300x16xf32, #tpu.memory_space<hbm>>, %arg8: memref<1280xf32, #tpu.memory_space<vmem>>, %arg9: memref<1280xf32, #tpu.memory_space<vmem>>, %arg10: memref<1280xf32, #tpu.memory_space<vmem>>, %arg11: memref<1280xf32, #tpu.memory_space<vmem>>, %arg12: memref<1280xf32, #tpu.memory_space<vmem>>, %arg13: memref<1280xf32, #tpu.memory_space<vmem>>, %arg14: memref<16xf32, #tpu.memory_space<vmem>>, %arg15: memref<256xf32, #tpu.memory_space<vmem>>, %arg16: memref<300x16xf32, #tpu.memory_space<vmem>>, %arg17: memref<512xf32, #tpu.memory_space<vmem_shared>>) attributes {dimension_semantics = [#tpu.dimension_semantics<core_parallel>, #tpu.dimension_semantics<subcore_parallel>], iteration_bounds = array<i64: 2, 16>, scalar_prefetch = 0 : i64, scratch_operands = 10 : i64, tpu.core_type = #tpu.core_type<sc_vector_subcore>, window_params = [{transform_indices = #map}, {transform_indices = #map}, {transform_indices = #map}, {transform_indices = #map}, {transform_indices = #map}, {transform_indices = #map1}]} {
    %mul3A = arith.constant 1280 : i32
    %mul3A_0 = arith.muli %arg1, %mul3A : i32
    "tpu.region"() ({
      %run_scoped3A = tpu.sem_alloc : memref<!tpu.dma_semaphore, #tpu.memory_space<semaphore_mem>>
      %dma_start3A = tpu.memref_slice %arg2[%mul3A_0] : memref<20480xf32, #tpu.memory_space<hbm>> -> memref<1280xf32, #tpu.memory_space<hbm>>
      %dma_start3A_26 = tpu.memref_slice %arg2[%mul3A_0] : memref<20480xf32, #tpu.memory_space<hbm>> -> memref<1280xf32, #tpu.memory_space<hbm>>
      tpu.enqueue_dma source(%dma_start3A_26 : memref<1280xf32, #tpu.memory_space<hbm>>) target(%arg8 : memref<1280xf32, #tpu.memory_space<vmem>>) target_semaphore(%run_scoped3A : memref<!tpu.dma_semaphore, #tpu.memory_space<semaphore_mem>>)
      %dma_wait3A = tpu.memref_slice %arg2[%mul3A_0] : memref<20480xf32, #tpu.memory_space<hbm>> -> memref<1280xf32, #tpu.memory_space<hbm>>
      %dma_wait3A_27 = tpu.memref_slice %arg2[%mul3A_0] : memref<20480xf32, #tpu.memory_space<hbm>> -> memref<1280xf32, #tpu.memory_space<hbm>>
      tpu.wait_dma2 semaphore(%run_scoped3A : memref<!tpu.dma_semaphore, #tpu.memory_space<semaphore_mem>>) src(%dma_wait3A_27 : memref<1280xf32, #tpu.memory_space<hbm>>) dst(%arg8 : memref<1280xf32, #tpu.memory_space<vmem>>)
      tpu.yield
    }) : () -> ()
    "tpu.region"() ({
      %run_scoped3A = tpu.sem_alloc : memref<!tpu.dma_semaphore, #tpu.memory_space<semaphore_mem>>
      %dma_start3A = tpu.memref_slice %arg3[%mul3A_0] : memref<20480xf32, #tpu.memory_space<hbm>> -> memref<1280xf32, #tpu.memory_space<hbm>>
      %dma_start3A_26 = tpu.memref_slice %arg3[%mul3A_0] : memref<20480xf32, #tpu.memory_space<hbm>> -> memref<1280xf32, #tpu.memory_space<hbm>>
      tpu.enqueue_dma source(%dma_start3A_26 : memref<1280xf32, #tpu.memory_space<hbm>>) target(%arg9 : memref<1280xf32, #tpu.memory_space<vmem>>) target_semaphore(%run_scoped3A : memref<!tpu.dma_semaphore, #tpu.memory_space<semaphore_mem>>)
      %dma_wait3A = tpu.memref_slice %arg3[%mul3A_0] : memref<20480xf32, #tpu.memory_space<hbm>> -> memref<1280xf32, #tpu.memory_space<hbm>>
      %dma_wait3A_27 = tpu.memref_slice %arg3[%mul3A_0] : memref<20480xf32, #tpu.memory_space<hbm>> -> memref<1280xf32, #tpu.memory_space<hbm>>
      tpu.wait_dma2 semaphore(%run_scoped3A : memref<!tpu.dma_semaphore, #tpu.memory_space<semaphore_mem>>) src(%dma_wait3A_27 : memref<1280xf32, #tpu.memory_space<hbm>>) dst(%arg9 : memref<1280xf32, #tpu.memory_space<vmem>>)
      tpu.yield
    }) : () -> ()
    "tpu.region"() ({
      %run_scoped3A = tpu.sem_alloc : memref<!tpu.dma_semaphore, #tpu.memory_space<semaphore_mem>>
      %dma_start3A = tpu.memref_slice %arg4[%mul3A_0] : memref<20480xf32, #tpu.memory_space<hbm>> -> memref<1280xf32, #tpu.memory_space<hbm>>
      %dma_start3A_26 = tpu.memref_slice %arg4[%mul3A_0] : memref<20480xf32, #tpu.memory_space<hbm>> -> memref<1280xf32, #tpu.memory_space<hbm>>
      tpu.enqueue_dma source(%dma_start3A_26 : memref<1280xf32, #tpu.memory_space<hbm>>) target(%arg10 : memref<1280xf32, #tpu.memory_space<vmem>>) target_semaphore(%run_scoped3A : memref<!tpu.dma_semaphore, #tpu.memory_space<semaphore_mem>>)
      %dma_wait3A = tpu.memref_slice %arg4[%mul3A_0] : memref<20480xf32, #tpu.memory_space<hbm>> -> memref<1280xf32, #tpu.memory_space<hbm>>
      %dma_wait3A_27 = tpu.memref_slice %arg4[%mul3A_0] : memref<20480xf32, #tpu.memory_space<hbm>> -> memref<1280xf32, #tpu.memory_space<hbm>>
      tpu.wait_dma2 semaphore(%run_scoped3A : memref<!tpu.dma_semaphore, #tpu.memory_space<semaphore_mem>>) src(%dma_wait3A_27 : memref<1280xf32, #tpu.memory_space<hbm>>) dst(%arg10 : memref<1280xf32, #tpu.memory_space<vmem>>)
      tpu.yield
    }) : () -> ()
    "tpu.region"() ({
      %run_scoped3A = tpu.sem_alloc : memref<!tpu.dma_semaphore, #tpu.memory_space<semaphore_mem>>
      %dma_start3A = tpu.memref_slice %arg5[%mul3A_0] : memref<20480xf32, #tpu.memory_space<hbm>> -> memref<1280xf32, #tpu.memory_space<hbm>>
      %dma_start3A_26 = tpu.memref_slice %arg5[%mul3A_0] : memref<20480xf32, #tpu.memory_space<hbm>> -> memref<1280xf32, #tpu.memory_space<hbm>>
      tpu.enqueue_dma source(%dma_start3A_26 : memref<1280xf32, #tpu.memory_space<hbm>>) target(%arg11 : memref<1280xf32, #tpu.memory_space<vmem>>) target_semaphore(%run_scoped3A : memref<!tpu.dma_semaphore, #tpu.memory_space<semaphore_mem>>)
      %dma_wait3A = tpu.memref_slice %arg5[%mul3A_0] : memref<20480xf32, #tpu.memory_space<hbm>> -> memref<1280xf32, #tpu.memory_space<hbm>>
      %dma_wait3A_27 = tpu.memref_slice %arg5[%mul3A_0] : memref<20480xf32, #tpu.memory_space<hbm>> -> memref<1280xf32, #tpu.memory_space<hbm>>
      tpu.wait_dma2 semaphore(%run_scoped3A : memref<!tpu.dma_semaphore, #tpu.memory_space<semaphore_mem>>) src(%dma_wait3A_27 : memref<1280xf32, #tpu.memory_space<hbm>>) dst(%arg11 : memref<1280xf32, #tpu.memory_space<vmem>>)
      tpu.yield
    }) : () -> ()
    "tpu.region"() ({
      %run_scoped3A = tpu.sem_alloc : memref<!tpu.dma_semaphore, #tpu.memory_space<semaphore_mem>>
      %dma_start3A = tpu.memref_slice %arg6[%mul3A_0] : memref<20480xf32, #tpu.memory_space<hbm>> -> memref<1280xf32, #tpu.memory_space<hbm>>
      %dma_start3A_26 = tpu.memref_slice %arg6[%mul3A_0] : memref<20480xf32, #tpu.memory_space<hbm>> -> memref<1280xf32, #tpu.memory_space<hbm>>
      tpu.enqueue_dma source(%dma_start3A_26 : memref<1280xf32, #tpu.memory_space<hbm>>) target(%arg13 : memref<1280xf32, #tpu.memory_space<vmem>>) target_semaphore(%run_scoped3A : memref<!tpu.dma_semaphore, #tpu.memory_space<semaphore_mem>>)
      %dma_wait3A = tpu.memref_slice %arg6[%mul3A_0] : memref<20480xf32, #tpu.memory_space<hbm>> -> memref<1280xf32, #tpu.memory_space<hbm>>
      %dma_wait3A_27 = tpu.memref_slice %arg6[%mul3A_0] : memref<20480xf32, #tpu.memory_space<hbm>> -> memref<1280xf32, #tpu.memory_space<hbm>>
      tpu.wait_dma2 semaphore(%run_scoped3A : memref<!tpu.dma_semaphore, #tpu.memory_space<semaphore_mem>>) src(%dma_wait3A_27 : memref<1280xf32, #tpu.memory_space<hbm>>) dst(%arg13 : memref<1280xf32, #tpu.memory_space<vmem>>)
      tpu.yield
    }) : () -> ()
    %scan3A = arith.constant 0 : i32
    %scan3A_1 = arith.constant 0 : i32
    %scan3A_2 = arith.constant 80 : i32
    %scan3A_3 = arith.addi %scan3A_1, %scan3A_2 : i32
    %scan3A_4 = arith.constant 1 : i32
    scf.for %scan3A_26 = %scan3A_1 to %scan3A_3 step %scan3A_4  : i32 {
      %mul3A_27 = arith.constant 16 : i32
      %mul3A_28 = arith.muli %scan3A_26, %mul3A_27 : i32
      %get3A = arith.index_cast %mul3A_28 : i32 to index
      %get3A_29 = tpu.vector_load %arg10[%get3A] {strides = array<i32>} : memref<1280xf32, #tpu.memory_space<vmem>>, vector<16xf32>,
      %get3A_30 = arith.index_cast %mul3A_28 : i32 to index
      %get3A_31 = tpu.vector_load %arg8[%get3A_30] {strides = array<i32>} : memref<1280xf32, #tpu.memory_space<vmem>>, vector<16xf32>,
      %sub3A = arith.subf %get3A_29, %get3A_31 : vector<16xf32>
      %get3A_32 = arith.index_cast %mul3A_28 : i32 to index
      %get3A_33 = tpu.vector_load %arg11[%get3A_32] {strides = array<i32>} : memref<1280xf32, #tpu.memory_space<vmem>>, vector<16xf32>,
      %get3A_34 = arith.index_cast %mul3A_28 : i32 to index
      %get3A_35 = tpu.vector_load %arg9[%get3A_34] {strides = array<i32>} : memref<1280xf32, #tpu.memory_space<vmem>>, vector<16xf32>,
      %sub3A_36 = arith.subf %get3A_33, %get3A_35 : vector<16xf32>
      %mul3A_37 = arith.mulf %sub3A, %sub3A_36 : vector<16xf32>
      %swap3A = arith.index_cast %mul3A_28 : i32 to index
      %swap3A_38 = tpu.vector_load %arg12[%swap3A] {strides = array<i32>} : memref<1280xf32, #tpu.memory_space<vmem>>, vector<16xf32>,
      tpu.vector_store %arg12[%swap3A], %mul3A_37 {strides = array<i32>} : memref<1280xf32, #tpu.memory_space<vmem>>, vector<16xf32>,
    }
    %scan3A_5 = arith.constant 80 : i32
    %iota3A = tpu.iota {dimensions = array<i32: 0>} : vector<16xi32>
    %convert_element_type3A = arith.sitofp %iota3A : vector<16xi32> to vector<16xf32>
    %broadcast_in_dim3A = arith.constant 0 : i32
    %broadcast_in_dim3A_6 = vector.broadcast %broadcast_in_dim3A : i32 to vector<16xi32>
    %gather3A = tpu.vector_load_idx %arg13[%broadcast_in_dim3A_6] : memref<1280xf32, #tpu.memory_space<vmem>>[vector<16xi32>], vector<16xf32>,
    %slice3A = vector.extract_strided_slice %gather3A {offsets = [0], sizes = [1], strides = [1]} : vector<16xf32> to vector<1xf32>
    %squeeze3A = vector.extract %slice3A[0] : f32 from vector<1xf32>
    %scan3A_7 = arith.constant 9.99999971E-10 : f32
    %scan3A_8 = arith.constant 5.000000e-01 : f32
    %scan3A_9 = arith.constant -1.000000e+30 : f32
    %scan3A_10 = arith.constant 3.000000e+09 : f32
    %scan3A_11 = arith.constant 3.000000e+09 : f32
    %scan3A_12 = arith.constant 3.000000e+09 : f32
    %scan3A_13 = arith.constant 3.000000e+09 : f32
    %scan3A_14 = arith.constant 0.000000e+00 : f32
    %scan3A_15 = arith.constant 0 : i32
    %scan3A_16 = arith.constant 300 : i32
    %scan3A_17 = arith.addi %scan3A_15, %scan3A_16 : i32
    %scan3A_18 = arith.constant 1 : i32
    %scan3A_19:5 = scf.for %scan3A_26 = %scan3A_15 to %scan3A_17 step %scan3A_18 iter_args(%scan3A_27 = %scan3A_10, %scan3A_28 = %scan3A_11, %scan3A_29 = %scan3A_12, %scan3A_30 = %scan3A_13, %scan3A_31 = %scan3A_14) -> (f32, f32, f32, f32, f32)  : i32 {
      %broadcast_in_dim3A_32 = arith.constant -3.400000e+38 : f32
      %broadcast_in_dim3A_33 = vector.broadcast %broadcast_in_dim3A_32 : f32 to vector<16xf32>
      %broadcast_in_dim3A_34 = arith.constant 4.000000e+09 : f32
      %broadcast_in_dim3A_35 = vector.broadcast %broadcast_in_dim3A_34 : f32 to vector<16xf32>
      %convert_element_type3A_36 = arith.sitofp %mul3A_0 : i32 to f32
      %add3A = vector.broadcast %convert_element_type3A_36 : f32 to vector<16xf32>
      %add3A_37 = arith.addf %convert_element_type3A, %add3A : vector<16xf32>
      %parallel_loop3A = arith.constant 0 : i32
      %parallel_loop3A_38 = arith.constant 1280 : i32
      %parallel_loop3A_39 = arith.constant 16 : i32
      %parallel_loop3A_40:3 = scf.for %parallel_loop3A_169 = %parallel_loop3A to %parallel_loop3A_38 step %parallel_loop3A_39 iter_args(%parallel_loop3A_170 = %broadcast_in_dim3A_33, %parallel_loop3A_171 = %broadcast_in_dim3A_35, %parallel_loop3A_172 = %add3A_37) -> (vector<16xf32>, vector<16xf32>, vector<16xf32>)  : i32 {
        %parallel_loop3A_173 = arith.index_cast %parallel_loop3A_169 : i32 to index
        %parallel_loop3A_174 = tpu.vector_load %arg8[%parallel_loop3A_173] {strides = array<i32>} : memref<1280xf32, #tpu.memory_space<vmem>>, vector<16xf32>,
        %parallel_loop3A_175 = vector.broadcast %scan3A_27 : f32 to vector<16xf32>
        %parallel_loop3A_176 = arith.maximumf %parallel_loop3A_174, %parallel_loop3A_175 : vector<16xf32>
        %parallel_loop3A_177 = arith.index_cast %parallel_loop3A_169 : i32 to index
        %parallel_loop3A_178 = tpu.vector_load %arg9[%parallel_loop3A_177] {strides = array<i32>} : memref<1280xf32, #tpu.memory_space<vmem>>, vector<16xf32>,
        %parallel_loop3A_179 = vector.broadcast %scan3A_28 : f32 to vector<16xf32>
        %parallel_loop3A_180 = arith.maximumf %parallel_loop3A_178, %parallel_loop3A_179 : vector<16xf32>
        %parallel_loop3A_181 = arith.index_cast %parallel_loop3A_169 : i32 to index
        %parallel_loop3A_182 = tpu.vector_load %arg10[%parallel_loop3A_181] {strides = array<i32>} : memref<1280xf32, #tpu.memory_space<vmem>>, vector<16xf32>,
        %parallel_loop3A_183 = vector.broadcast %scan3A_29 : f32 to vector<16xf32>
        %parallel_loop3A_184 = arith.minimumf %parallel_loop3A_182, %parallel_loop3A_183 : vector<16xf32>
        %parallel_loop3A_185 = arith.index_cast %parallel_loop3A_169 : i32 to index
        %parallel_loop3A_186 = tpu.vector_load %arg11[%parallel_loop3A_185] {strides = array<i32>} : memref<1280xf32, #tpu.memory_space<vmem>>, vector<16xf32>,
        %parallel_loop3A_187 = vector.broadcast %scan3A_30 : f32 to vector<16xf32>
        %parallel_loop3A_188 = arith.minimumf %parallel_loop3A_186, %parallel_loop3A_187 : vector<16xf32>
        %parallel_loop3A_189 = arith.subf %parallel_loop3A_184, %parallel_loop3A_176 : vector<16xf32>
        %parallel_loop3A_190 = arith.constant 0.000000e+00 : f32
        %parallel_loop3A_191 = vector.broadcast %parallel_loop3A_190 : f32 to vector<16xf32>
        %parallel_loop3A_192 = arith.maximumf %parallel_loop3A_189, %parallel_loop3A_191 : vector<16xf32>
        %parallel_loop3A_193 = arith.subf %parallel_loop3A_188, %parallel_loop3A_180 : vector<16xf32>
        %parallel_loop3A_194 = arith.constant 0.000000e+00 : f32
        %parallel_loop3A_195 = vector.broadcast %parallel_loop3A_194 : f32 to vector<16xf32>
        %parallel_loop3A_196 = arith.maximumf %parallel_loop3A_193, %parallel_loop3A_195 : vector<16xf32>
        %parallel_loop3A_197 = arith.mulf %parallel_loop3A_192, %parallel_loop3A_196 : vector<16xf32>
        %parallel_loop3A_198 = arith.index_cast %parallel_loop3A_169 : i32 to index
        %parallel_loop3A_199 = tpu.vector_load %arg12[%parallel_loop3A_198] {strides = array<i32>} : memref<1280xf32, #tpu.memory_space<vmem>>, vector<16xf32>,
        %parallel_loop3A_200 = vector.broadcast %scan3A_31 : f32 to vector<16xf32>
        %parallel_loop3A_201 = arith.addf %parallel_loop3A_199, %parallel_loop3A_200 : vector<16xf32>
        %parallel_loop3A_202 = arith.subf %parallel_loop3A_201, %parallel_loop3A_197 : vector<16xf32>
        %parallel_loop3A_203 = vector.broadcast %scan3A_7 : f32 to vector<16xf32>
        %parallel_loop3A_204 = arith.addf %parallel_loop3A_202, %parallel_loop3A_203 : vector<16xf32>
        %parallel_loop3A_205 = vector.broadcast %scan3A_8 : f32 to vector<16xf32>
        %parallel_loop3A_206 = arith.mulf %parallel_loop3A_205, %parallel_loop3A_204 : vector<16xf32>
        %parallel_loop3A_207 = arith.cmpf ogt, %parallel_loop3A_197, %parallel_loop3A_206 : vector<16xf32>
        %parallel_loop3A_208 = arith.index_cast %parallel_loop3A_169 : i32 to index
        %parallel_loop3A_209 = tpu.vector_load %arg13[%parallel_loop3A_208] {strides = array<i32>} : memref<1280xf32, #tpu.memory_space<vmem>>, vector<16xf32>,
        %parallel_loop3A_210 = vector.broadcast %scan3A_9 : f32 to vector<16xf32>
        %parallel_loop3A_211 = arith.select %parallel_loop3A_207, %parallel_loop3A_210, %parallel_loop3A_209 : vector<16xi1>, vector<16xf32>
        %parallel_loop3A_212 = arith.index_cast %parallel_loop3A_169 : i32 to index
        %parallel_loop3A_213 = tpu.vector_load %arg13[%parallel_loop3A_212] {strides = array<i32>} : memref<1280xf32, #tpu.memory_space<vmem>>, vector<16xf32>,
        tpu.vector_store %arg13[%parallel_loop3A_212], %parallel_loop3A_211 {strides = array<i32>} : memref<1280xf32, #tpu.memory_space<vmem>>, vector<16xf32>,
        %parallel_loop3A_214 = arith.cmpf ogt, %parallel_loop3A_211, %parallel_loop3A_170 : vector<16xf32>
        %parallel_loop3A_215 = arith.maximumf %parallel_loop3A_170, %parallel_loop3A_211 : vector<16xf32>
        %parallel_loop3A_216 = arith.select %parallel_loop3A_214, %parallel_loop3A_172, %parallel_loop3A_171 : vector<16xi1>, vector<16xf32>
        %parallel_loop3A_217 = arith.constant 1.600000e+01 : f32
        %parallel_loop3A_218 = vector.broadcast %parallel_loop3A_217 : f32 to vector<16xf32>
        %parallel_loop3A_219 = arith.addf %parallel_loop3A_172, %parallel_loop3A_218 : vector<16xf32>
        scf.yield %parallel_loop3A_215, %parallel_loop3A_216, %parallel_loop3A_219 : vector<16xf32>, vector<16xf32>, vector<16xf32>
      } {sc.loop_unroll_factor = 2 : i64, sc.parallel_access}
      %reduce_max3A = arith.constant true
      %reduce_max3A_41 = vector.broadcast %reduce_max3A : i1 to vector<16xi1>
      %reduce_max3A_42 = tpu.scan <max>, %parallel_loop3A_40#0 masked %reduce_max3A_41 : vector<16xf32>, vector<16xi1> -> vector<16xf32>
      %reduce_max3A_43 = vector.extract %reduce_max3A_42[15] : f32 from vector<16xf32>
      %eq3A_44 = vector.broadcast %reduce_max3A_43 : f32 to vector<16xf32>
      %eq3A_45 = arith.cmpf oeq, %parallel_loop3A_40#0, %eq3A_44 : vector<16xf32>
      %jit3A = arith.constant 4.000000e+09 : f32
      %broadcast_in_dim3A_46 = vector.broadcast %jit3A : f32 to vector<16xf32>
      %select_n3A = arith.select %eq3A_45, %parallel_loop3A_40#1, %broadcast_in_dim3A_46 : vector<16xi1>, vector<16xf32>
      %reduce_min3A = arith.constant true
      %reduce_min3A_47 = vector.broadcast %reduce_min3A : i1 to vector<16xi1>
      %reduce_min3A_48 = tpu.scan <min>, %select_n3A masked %reduce_min3A_47 : vector<16xf32>, vector<16xi1> -> vector<16xf32>
      %reduce_min3A_49 = vector.extract %reduce_min3A_48[15] : f32 from vector<16xf32>
      %convert_element_type3A_50 = arith.fptosi %reduce_min3A_49 : f32 to i32
      %sub3A = arith.subi %convert_element_type3A_50, %mul3A_0 : i32
      %add3A_51 = vector.broadcast %sub3A : i32 to vector<16xi32>
      %add3A_52 = arith.addi %broadcast_in_dim3A_6, %add3A_51 : vector<16xi32>
      %eq3A_53 = arith.constant 0 : i32
      %eq3A_54 = vector.broadcast %eq3A_53 : i32 to vector<16xi32>
      %eq3A_55 = arith.cmpi eq, %iota3A, %eq3A_54 : vector<16xi32>
      %jit3A_56 = arith.constant 0.000000e+00 : f32
      %broadcast_in_dim3A_57 = vector.broadcast %reduce_max3A_43 : f32 to vector<16xf32>
      %broadcast_in_dim3A_58 = vector.broadcast %jit3A_56 : f32 to vector<16xf32>
      %select_n3A_59 = arith.select %eq3A_55, %broadcast_in_dim3A_57, %broadcast_in_dim3A_58 : vector<16xi1>, vector<16xf32>
      %eq3A_60 = arith.constant 1 : i32
      %eq3A_61 = vector.broadcast %eq3A_60 : i32 to vector<16xi32>
      %eq3A_62 = arith.cmpi eq, %iota3A, %eq3A_61 : vector<16xi32>
      %broadcast_in_dim3A_63 = vector.broadcast %reduce_min3A_49 : f32 to vector<16xf32>
      %select_n3A_64 = arith.select %eq3A_62, %broadcast_in_dim3A_63, %select_n3A_59 : vector<16xi1>, vector<16xf32>
      %eq3A_65 = arith.constant 2 : i32
      %eq3A_66 = vector.broadcast %eq3A_65 : i32 to vector<16xi32>
      %eq3A_67 = arith.cmpi eq, %iota3A, %eq3A_66 : vector<16xi32>
      %gather3A_68 = tpu.vector_load_idx %arg8[%add3A_52] : memref<1280xf32, #tpu.memory_space<vmem>>[vector<16xi32>], vector<16xf32>,
      %select_n3A_69 = arith.select %eq3A_67, %gather3A_68, %select_n3A_64 : vector<16xi1>, vector<16xf32>
      %eq3A_70 = arith.constant 3 : i32
      %eq3A_71 = vector.broadcast %eq3A_70 : i32 to vector<16xi32>
      %eq3A_72 = arith.cmpi eq, %iota3A, %eq3A_71 : vector<16xi32>
      %gather3A_73 = tpu.vector_load_idx %arg9[%add3A_52] : memref<1280xf32, #tpu.memory_space<vmem>>[vector<16xi32>], vector<16xf32>,
      %select_n3A_74 = arith.select %eq3A_72, %gather3A_73, %select_n3A_69 : vector<16xi1>, vector<16xf32>
      %eq3A_75 = arith.constant 4 : i32
      %eq3A_76 = vector.broadcast %eq3A_75 : i32 to vector<16xi32>
      %eq3A_77 = arith.cmpi eq, %iota3A, %eq3A_76 : vector<16xi32>
      %gather3A_78 = tpu.vector_load_idx %arg10[%add3A_52] : memref<1280xf32, #tpu.memory_space<vmem>>[vector<16xi32>], vector<16xf32>,
      %select_n3A_79 = arith.select %eq3A_77, %gather3A_78, %select_n3A_74 : vector<16xi1>, vector<16xf32>
      %eq3A_80 = arith.constant 5 : i32
      %eq3A_81 = vector.broadcast %eq3A_80 : i32 to vector<16xi32>
      %eq3A_82 = arith.cmpi eq, %iota3A, %eq3A_81 : vector<16xi32>
      %gather3A_83 = tpu.vector_load_idx %arg11[%add3A_52] : memref<1280xf32, #tpu.memory_space<vmem>>[vector<16xi32>], vector<16xf32>,
      %select_n3A_84 = arith.select %eq3A_82, %gather3A_83, %select_n3A_79 : vector<16xi1>, vector<16xf32>
      %eq3A_85 = arith.constant 6 : i32
      %eq3A_86 = vector.broadcast %eq3A_85 : i32 to vector<16xi32>
      %eq3A_87 = arith.cmpi eq, %iota3A, %eq3A_86 : vector<16xi32>
      %eq3A_88 = arith.cmpf oeq, %reduce_max3A_43, %scan3A_9 : f32
      %select_n3A_89 = arith.select %eq3A_88, %squeeze3A, %reduce_max3A_43 : f32
      %broadcast_in_dim3A_90 = vector.broadcast %select_n3A_89 : f32 to vector<16xf32>
      %select_n3A_91 = arith.select %eq3A_87, %broadcast_in_dim3A_90, %select_n3A_84 : vector<16xi1>, vector<16xf32>
      %swap3A = arith.constant 0 : index
      %swap3A_92 = tpu.vector_load %arg14[%swap3A] {strides = array<i32>} : memref<16xf32, #tpu.memory_space<vmem>>, vector<16xf32>,
      tpu.vector_store %arg14[%swap3A], %select_n3A_91 {strides = array<i32>} : memref<16xf32, #tpu.memory_space<vmem>>, vector<16xf32>,
      %and3A_93 = arith.constant 1 : i32
      %and3A_94 = arith.andi %scan3A_26, %and3A_93 : i32
      %mul3A_95 = arith.constant 256 : i32
      %mul3A_96 = arith.muli %and3A_94, %mul3A_95 : i32
      %mul3A_97 = arith.constant 16 : i32
      %mul3A_98 = arith.muli %arg1, %mul3A_97 : i32
      %add3A_99 = arith.addi %mul3A_96, %mul3A_98 : i32
      "tpu.region"() ({
        %run_scoped3A = tpu.sem_alloc : memref<!tpu.dma_semaphore, #tpu.memory_space<semaphore_mem>>
        %dma_start3A = tpu.memref_slice %arg17[%add3A_99] : memref<512xf32, #tpu.memory_space<vmem_shared>> -> memref<16xf32, #tpu.memory_space<vmem_shared>>
        %dma_start3A_169 = tpu.memref_slice %arg17[%add3A_99] : memref<512xf32, #tpu.memory_space<vmem_shared>> -> memref<16xf32, #tpu.memory_space<vmem_shared>>
        tpu.enqueue_dma source(%arg14 : memref<16xf32, #tpu.memory_space<vmem>>) target(%dma_start3A_169 : memref<16xf32, #tpu.memory_space<vmem_shared>>) target_semaphore(%run_scoped3A : memref<!tpu.dma_semaphore, #tpu.memory_space<semaphore_mem>>)
        %dma_wait3A = tpu.memref_slice %arg17[%add3A_99] : memref<512xf32, #tpu.memory_space<vmem_shared>> -> memref<16xf32, #tpu.memory_space<vmem_shared>>
        %dma_wait3A_170 = tpu.memref_slice %arg17[%add3A_99] : memref<512xf32, #tpu.memory_space<vmem_shared>> -> memref<16xf32, #tpu.memory_space<vmem_shared>>
        tpu.wait_dma2 semaphore(%run_scoped3A : memref<!tpu.dma_semaphore, #tpu.memory_space<semaphore_mem>>) src(%arg14 : memref<16xf32, #tpu.memory_space<vmem>>) dst(%dma_wait3A_170 : memref<16xf32, #tpu.memory_space<vmem_shared>>)
        tpu.yield
      }) : () -> ()
      %barrier3A = arith.constant 0 : index
      tpu.barrier barrier_id(%barrier3A)
      "tpu.region"() ({
        %run_scoped3A = tpu.sem_alloc : memref<!tpu.dma_semaphore, #tpu.memory_space<semaphore_mem>>
        %dma_start3A = tpu.memref_slice %arg17[%mul3A_96] : memref<512xf32, #tpu.memory_space<vmem_shared>> -> memref<256xf32, #tpu.memory_space<vmem_shared>>
        %dma_start3A_169 = tpu.memref_slice %arg17[%mul3A_96] : memref<512xf32, #tpu.memory_space<vmem_shared>> -> memref<256xf32, #tpu.memory_space<vmem_shared>>
        tpu.enqueue_dma source(%dma_start3A_169 : memref<256xf32, #tpu.memory_space<vmem_shared>>) target(%arg15 : memref<256xf32, #tpu.memory_space<vmem>>) target_semaphore(%run_scoped3A : memref<!tpu.dma_semaphore, #tpu.memory_space<semaphore_mem>>)
        %dma_wait3A = tpu.memref_slice %arg17[%mul3A_96] : memref<512xf32, #tpu.memory_space<vmem_shared>> -> memref<256xf32, #tpu.memory_space<vmem_shared>>
        %dma_wait3A_170 = tpu.memref_slice %arg17[%mul3A_96] : memref<512xf32, #tpu.memory_space<vmem_shared>> -> memref<256xf32, #tpu.memory_space<vmem_shared>>
        tpu.wait_dma2 semaphore(%run_scoped3A : memref<!tpu.dma_semaphore, #tpu.memory_space<semaphore_mem>>) src(%dma_wait3A_170 : memref<256xf32, #tpu.memory_space<vmem_shared>>) dst(%arg15 : memref<256xf32, #tpu.memory_space<vmem>>)
        tpu.yield
      }) : () -> ()
      %mul3A_100 = arith.constant 16 : i32
      %mul3A_101 = vector.broadcast %mul3A_100 : i32 to vector<16xi32>
      %mul3A_102 = arith.muli %iota3A, %mul3A_101 : vector<16xi32>
      %gather3A_103 = tpu.vector_load_idx %arg15[%mul3A_102] : memref<256xf32, #tpu.memory_space<vmem>>[vector<16xi32>], vector<16xf32>,
      %reduce_max3A_104 = arith.constant true
      %reduce_max3A_105 = vector.broadcast %reduce_max3A_104 : i1 to vector<16xi1>
      %reduce_max3A_106 = tpu.scan <max>, %gather3A_103 masked %reduce_max3A_105 : vector<16xf32>, vector<16xi1> -> vector<16xf32>
      %reduce_max3A_107 = vector.extract %reduce_max3A_106[15] : f32 from vector<16xf32>
      %eq3A_108 = vector.broadcast %reduce_max3A_107 : f32 to vector<16xf32>
      %eq3A_109 = arith.cmpf oeq, %gather3A_103, %eq3A_108 : vector<16xf32>
      %jit3A_110 = arith.constant 16 : i32
      %broadcast_in_dim3A_111 = vector.broadcast %jit3A_110 : i32 to vector<16xi32>
      %select_n3A_112 = arith.select %eq3A_109, %iota3A, %broadcast_in_dim3A_111 : vector<16xi1>, vector<16xi32>
      %reduce_min3A_113 = arith.constant true
      %reduce_min3A_114 = vector.broadcast %reduce_min3A_113 : i1 to vector<16xi1>
      %reduce_min3A_115 = arith.constant -2147483648 : i32
      %reduce_min3A_116 = vector.broadcast %reduce_min3A_115 : i32 to vector<16xi32>
      %reduce_min3A_117 = arith.xori %select_n3A_112, %reduce_min3A_116 : vector<16xi32>
      %reduce_min3A_118 = tpu.scan <min>, %reduce_min3A_117 masked %reduce_min3A_114 : vector<16xi32>, vector<16xi1> -> vector<16xi32>
      %reduce_min3A_119 = arith.xori %reduce_min3A_118, %reduce_min3A_116 : vector<16xi32>
      %reduce_min3A_120 = vector.extract %reduce_min3A_119[15] : i32 from vector<16xi32>
      %mul3A_121 = arith.constant 16 : i32
      %mul3A_122 = arith.muli %reduce_min3A_120, %mul3A_121 : i32
      %add3A_123 = vector.broadcast %mul3A_122 : i32 to vector<16xi32>
      %add3A_124 = arith.addi %add3A_123, %iota3A : vector<16xi32>
      %gather3A_125 = tpu.vector_load_idx %arg15[%add3A_124] : memref<256xf32, #tpu.memory_space<vmem>>[vector<16xi32>], vector<16xf32>,
      %slice3A_126 = vector.extract_strided_slice %gather3A_125 {offsets = [2], sizes = [1], strides = [1]} : vector<16xf32> to vector<1xf32>
      %squeeze3A_127 = vector.extract %slice3A_126[0] : f32 from vector<1xf32>
      %slice3A_128 = vector.extract_strided_slice %gather3A_125 {offsets = [3], sizes = [1], strides = [1]} : vector<16xf32> to vector<1xf32>
      %squeeze3A_129 = vector.extract %slice3A_128[0] : f32 from vector<1xf32>
      %slice3A_130 = vector.extract_strided_slice %gather3A_125 {offsets = [4], sizes = [1], strides = [1]} : vector<16xf32> to vector<1xf32>
      %squeeze3A_131 = vector.extract %slice3A_130[0] : f32 from vector<1xf32>
      %slice3A_132 = vector.extract_strided_slice %gather3A_125 {offsets = [5], sizes = [1], strides = [1]} : vector<16xf32> to vector<1xf32>
      %squeeze3A_133 = vector.extract %slice3A_132[0] : f32 from vector<1xf32>
      %sub3A_134 = arith.subf %squeeze3A_131, %squeeze3A_127 : f32
      %sub3A_135 = arith.subf %squeeze3A_133, %squeeze3A_129 : f32
      %mul3A_136 = arith.mulf %sub3A_134, %sub3A_135 : f32
      %broadcast_in_dim3A_137 = arith.constant 0.000000e+00 : f32
      %broadcast_in_dim3A_138 = vector.broadcast %broadcast_in_dim3A_137 : f32 to vector<16xf32>
      %slice3A_139 = vector.extract_strided_slice %gather3A_125 {offsets = [6], sizes = [1], strides = [1]} : vector<16xf32> to vector<1xf32>
      %squeeze3A_140 = vector.extract %slice3A_139[0] : f32 from vector<1xf32>
      %eq3A_141 = arith.constant 0 : i32
      %eq3A_142 = vector.broadcast %eq3A_141 : i32 to vector<16xi32>
      %eq3A_143 = arith.cmpi eq, %iota3A, %eq3A_142 : vector<16xi32>
      %broadcast_in_dim3A_144 = vector.broadcast %squeeze3A_127 : f32 to vector<16xf32>
      %select_n3A_145 = arith.select %eq3A_143, %broadcast_in_dim3A_144, %broadcast_in_dim3A_138 : vector<16xi1>, vector<16xf32>
      %eq3A_146 = arith.constant 1 : i32
      %eq3A_147 = vector.broadcast %eq3A_146 : i32 to vector<16xi32>
      %eq3A_148 = arith.cmpi eq, %iota3A, %eq3A_147 : vector<16xi32>
      %broadcast_in_dim3A_149 = vector.broadcast %squeeze3A_129 : f32 to vector<16xf32>
      %select_n3A_150 = arith.select %eq3A_148, %broadcast_in_dim3A_149, %select_n3A_145 : vector<16xi1>, vector<16xf32>
      %eq3A_151 = arith.constant 2 : i32
      %eq3A_152 = vector.broadcast %eq3A_151 : i32 to vector<16xi32>
      %eq3A_153 = arith.cmpi eq, %iota3A, %eq3A_152 : vector<16xi32>
      %broadcast_in_dim3A_154 = vector.broadcast %squeeze3A_131 : f32 to vector<16xf32>
      %select_n3A_155 = arith.select %eq3A_153, %broadcast_in_dim3A_154, %select_n3A_150 : vector<16xi1>, vector<16xf32>
      %eq3A_156 = arith.constant 3 : i32
      %eq3A_157 = vector.broadcast %eq3A_156 : i32 to vector<16xi32>
      %eq3A_158 = arith.cmpi eq, %iota3A, %eq3A_157 : vector<16xi32>
      %broadcast_in_dim3A_159 = vector.broadcast %squeeze3A_133 : f32 to vector<16xf32>
      %select_n3A_160 = arith.select %eq3A_158, %broadcast_in_dim3A_159, %select_n3A_155 : vector<16xi1>, vector<16xf32>
      %eq3A_161 = arith.constant 4 : i32
      %eq3A_162 = vector.broadcast %eq3A_161 : i32 to vector<16xi32>
      %eq3A_163 = arith.cmpi eq, %iota3A, %eq3A_162 : vector<16xi32>
      %broadcast_in_dim3A_164 = vector.broadcast %squeeze3A_140 : f32 to vector<16xf32>
      %select_n3A_165 = arith.select %eq3A_163, %broadcast_in_dim3A_164, %select_n3A_160 : vector<16xi1>, vector<16xf32>
      %swap3A_166 = arith.index_cast %scan3A_26 : i32 to index
      %swap3A_167 = arith.constant 0 : index
      %swap3A_168 = tpu.vector_load %arg16[%swap3A_166, %swap3A_167] {strides = array<i32>} : memref<300x16xf32, #tpu.memory_space<vmem>>, vector<16xf32>,
      tpu.vector_store %arg16[%swap3A_166, %swap3A_167], %select_n3A_165 {strides = array<i32>} : memref<300x16xf32, #tpu.memory_space<vmem>>, vector<16xf32>,
      scf.yield %squeeze3A_127, %squeeze3A_129, %squeeze3A_131, %squeeze3A_133, %mul3A_136 : f32, f32, f32, f32, f32
    }
    %scan3A_20 = arith.constant 300 : i32
    %eq3A = arith.constant 0 : i32
    %eq3A_21 = arith.cmpi eq, %arg0, %eq3A : i32
    %eq3A_22 = arith.constant 0 : i32
    %eq3A_23 = arith.cmpi eq, %arg1, %eq3A_22 : i32
    %and3A = arith.andi %eq3A_21, %eq3A_23 : i1
    %convert_element_type3A_24 = arith.extui %and3A : i1 to i32
    %cond3A = arith.constant 0 : i32
    %cond3A_25 = arith.cmpi ne, %convert_element_type3A_24, %cond3A : i32
    scf.if %cond3A_25 {
      "tpu.region"() ({
        %run_scoped3A = tpu.sem_alloc : memref<!tpu.dma_semaphore, #tpu.memory_space<semaphore_mem>>
        tpu.enqueue_dma source(%arg16 : memref<300x16xf32, #tpu.memory_space<vmem>>) target(%arg7 : memref<300x16xf32, #tpu.memory_space<hbm>>) target_semaphore(%run_scoped3A : memref<!tpu.dma_semaphore, #tpu.memory_space<semaphore_mem>>)
        tpu.wait_dma2 semaphore(%run_scoped3A : memref<!tpu.dma_semaphore, #tpu.memory_space<semaphore_mem>>) src(%arg16 : memref<300x16xf32, #tpu.memory_space<vmem>>) dst(%arg7 : memref<300x16xf32, #tpu.memory_space<hbm>>)
        tpu.yield
      }) : () -> ()
    } else {
    }
    return
  }
}

</mosaic_0001>

<sc_bundles>
// kernel: kernel.3.cloned.1.call-start
scs
__scs_entry_jumppad:
0x0: {  	(pc) =	sbr.rel $0x88, $3  }
0x1: {  	(tag) =	ssettag $0x0;
	lr =	simm.s32 $0x1  }
0x2: {  	[smem:$0x3F9F] =	sst lr;
	_ =	strace $0xD0000000  }
0x3: {  	_ = 	snop  }
0x4: {  	_ = 	snop  }
0x5: {  	_ = 	snop  }
0x6: {  	_ = 	snop  }
0x7: {  	_ = 	snop  }
__scs_overlays_trampoline_lowered:
0x8: {  	[smem:$0x3FAE] =	sst s0  }
0x9: {  	[smem:$0x3FAF] =	sst s1  }
0xa: {  	[smem:$0x3FB0] =	sst s2  }
0xb: {  	[smem:$0x3FB1] =	sst s3  }
0xc: {  	[smem:$0x3FB2] =	sst s4  }
0xd: {  	[smem:$0x3FB3] =	sst s5  }
0xe: {  	[smem:$0x3FB4] =	sst s6  }
0xf: {  	[smem:$0x3FB5] =	sst s7  }
0x10: {  	[smem:$0x3FB6] =	sst s8  }
0x11: {  	[smem:$0x3FB7] =	sst s9;
	s0 =	simm.s32 @!p0 $0x0  }
0x12: {  	s1 =	sld [smem:$0x3F9D];
	s0 =	simm.s32 @p0 $0x1  }
0x13: {  	[smem:$0x3FB8] =	sst s0;
	s0 =	simm.s32 @!p1 $0x0  }
0x14: {  	s2 =	sld [smem:$0x3F9C];
	s0 =	simm.s32 @p1 $0x1  }
0x15: {  	[smem:$0x3FB9] =	sst s0;
	s0 =	simm.s32 @!p2 $0x0  }
0x16: {  	s3 =	sld [smem:$0x3FDB];
	s0 =	simm.s32 @p2 $0x1  }
0x17: {  	s4 =	simm.s32 $0x1BF5;
	[smem:$0x3FBB] =	sst s0  }
0x18: {  	s0 =	sld [smem:$0x3F9E];
	_ =	swait.ge [sflag:s4], $0x0  }
0x19: {  	s7 =	sld [smem:$0x3F9F]  }
0x1a: {  	s8 =	sadd.s32 $0xFFFFE003, lr  }
0x1b: {  	s9 =	sadd.s32 $0xFFFFFEF7, lr;
	s5 =	simm.s32 $0xFFFFFFFF;
	p2 =	slt.u32 s8, $0xFFFFF086  }
0x1c: {  	p1 =	slt.u32 s9, $0xF7A;
	s5 =	simm.s32 @!p2 $0x0  }
0x1d: {  	s5 =	simm.s32 @p1 $0x1;
	p0 =	seq.s32 s7, s2  }
0x1e: {  	s7 =	smul.u32 @!p0 $0xF7A, s2;
	p2 =	seq.s32 @!p0 s5, $0x0  }
0x1f: {  	s9 =	smul.u32 $0xF7A, s1;
	s8 =	simm.s32 @!p0 $0x1BF5;
	p2 =	por !p2, p0  }
0x20: {  	[sflag:s8] =	ssyncset.s32 @!p0 $0xFFFFF086;
	s6 =	sadd.s32 @!p0 s3, s7;
	s7 =	simm.s32 @!p0 $0x108  }
0x21: {  	s3 =	sadd.s32 s3, s9;
	s6 =	sadd.s32 @!p0 $0x88, s6;
	s7 =	simm.s32 @p2 $0x1082  }
0x22: {  	[simem:s7], [sflag:s8] =	dma.local @!p0 [hbm:s6], $0xF7A  }
0x23: {  	s9 =	sor.u32 $0xD0000000, s2;
	s6 =	simm.s32 $0x108;
	_ =	swait.ge @!p0 [sflag:s8], $0x0  }
0x24: {  	s3 =	sadd.s32 $0x88, s3;
	s6 =	simm.s32 @!p1 $0x1082;
	[sflag:s4] =	ssyncset.s32 $0xFFFFF086  }
0x25: {  	[simem:s6], [sflag:s4] =	dma.local [hbm:s3], $0xF7A  }
0x26: {  	[smem:$0x3F9F] =	sst s1;
	(tag) =	ssettag s2;
	_ =	strace s9  }
0x27: {  	s1 =	sld [smem:$0x3FAF]  }
0x28: {  	s2 =	sld [smem:$0x3FB0]  }
0x29: {  	s4 =	sld [smem:$0x3FB2]  }
0x2a: {  	p0 =	seq.s32 s5, $0x0;
	s5 =	sld [smem:$0x3FB3]  }
0x2b: {  	s6 =	sld [smem:$0x3FB4]  }
0x2c: {  	s7 =	sld [smem:$0x3FB5]  }
0x2d: {  	s3 =	simm.s32 $0x108;
	s8 =	sld [smem:$0x3FB6]  }
0x2e: {  	s3 =	simm.s32 @!p0 $0x1082;
	s9 =	sld [smem:$0x3FB7]  }
0x2f: {  	lr =	sadd.s32 s0, s3;
	s0 =	sld [smem:$0x3FAE]  }
0x30: {  	s3 =	sld [smem:$0x3FB1]  }
0x31: {  	[smem:$0x3FBA] =	sst s10  }
0x32: {  	s10 =	sld [smem:$0x3FB8];
	_ =	sdelay $0x3  }
0x33: {  	p0 =	seq.s32 s10, $0x1;
	s10 =	sld [smem:$0x3FBA];
	_ =	sdelay $0x3  }
0x34: {  	[smem:$0x3FBA] =	sst s10  }
0x35: {  	s10 =	sld [smem:$0x3FB9];
	_ =	sdelay $0x3  }
0x36: {  	p1 =	seq.s32 s10, $0x1;
	s10 =	sld [smem:$0x3FBA];
	_ =	sdelay $0x3  }
0x37: {  	[smem:$0x3FBA] =	sst s10  }
0x38: {  	s10 =	sld [smem:$0x3FBB]  }
0x39: {  	_ = 	snop;
	(pc) =	sbr.ind lr, $3  }
0x3a: {  	_ = 	snop  }
0x3b: {  	_ = 	snop  }
0x3c: {  	p2 =	seq.s32 s10, $0x1;
	s10 =	sld [smem:$0x3FBA]  }
0x3d: {  	_ =	shalt  }
0x3e: {  	_ =	shalt  }
0x3f: {  	_ =	shalt  }
0x40: {  	_ =	shalt  }
0x41: {  	_ =	shalt  }
0x42: {  	_ =	shalt  }
0x43: {  	_ =	shalt  }
0x44: {  	_ =	shalt  }
0x45: {  	_ =	shalt  }
0x46: {  	_ =	shalt  }
0x47: {  	_ =	shalt  }
0x48: {  	_ =	shalt  }
0x49: {  	_ =	shalt  }
0x4a: {  	_ =	shalt  }
0x4b: {  	_ =	shalt  }
0x4c: {  	_ =	shalt  }
0x4d: {  	_ =	shalt  }
0x4e: {  	_ =	shalt  }
0x4f: {  	_ =	shalt  }
0x50: {  	_ =	shalt  }
0x51: {  	_ =	shalt  }
0x52: {  	_ =	shalt  }
0x53: {  	_ =	shalt  }
0x54: {  	_ =	shalt  }
0x55: {  	_ =	shalt  }
0x56: {  	_ =	shalt  }
0x57: {  	_ =	shalt  }
0x58: {  	_ =	shalt  }
0x59: {  	_ =	shalt  }
0x5a: {  	_ =	shalt  }
0x5b: {  	_ =	shalt  }
0x5c: {  	_ =	shalt  }
0x5d: {  	_ =	shalt  }
0x5e: {  	_ =	shalt  }
0x5f: {  	_ =	shalt  }
0x60: {  	_ =	shalt  }
0x61: {  	_ =	shalt  }
0x62: {  	_ =	shalt  }
0x63: {  	_ =	shalt  }
0x64: {  	_ =	shalt  }
0x65: {  	_ =	shalt  }
0x66: {  	_ =	shalt  }
0x67: {  	_ =	shalt  }
0x68: {  	_ =	shalt  }
0x69: {  	_ =	shalt  }
0x6a: {  	_ =	shalt  }
0x6b: {  	_ =	shalt  }
0x6c: {  	_ =	shalt  }
0x6d: {  	_ =	shalt  }
0x6e: {  	_ =	shalt  }
0x6f: {  	_ =	shalt  }
0x70: {  	_ =	shalt  }
0x71: {  	_ =	shalt  }
0x72: {  	_ =	shalt  }
0x73: {  	_ =	shalt  }
0x74: {  	_ =	shalt  }
0x75: {  	_ =	shalt  }
0x76: {  	_ =	shalt  }
0x77: {  	_ =	shalt  }
0x78: {  	_ =	shalt  }
0x79: {  	_ =	shalt  }
0x7a: {  	_ =	shalt  }
0x7b: {  	_ =	shalt  }
0x7c: {  	_ =	shalt  }
0x7d: {  	_ =	shalt  }
0x7e: {  	_ =	shalt  }
0x7f: {  	_ =	shalt  }
0x80: {  	_ =	shalt  }
0x81: {  	_ =	shalt  }
0x82: {  	_ =	shalt  }
0x83: {  	_ =	shalt  }
0x84: {  	_ =	shalt  }
0x85: {  	_ =	shalt  }
0x86: {  	_ =	shalt  }
0x87: {  	_ =	shalt  }
.Lfunc_end0:
.L_simem_size_0:
called_computation_lowered:
.L_overlay_start_0:
0x88: {  	s2 =	sld [smem:$0x3FD9]  }
0x89: {  	s3 =	sld [smem:$0x3FFE];
	_ =	sdelay $0x1  }
0x8a: {  	s1 =	srdreg.scid  }
0x8b: {  	s0 =	sand.u32 $0x1, s1  }
0x8c: {  	s16 =	sshll.u32 s0, $0xA;
	s2 =	sadd.s32 s3, s2  }
0x8d: {  	s2 =	sadd.s32 s2, s16  }
0x8e: {  	[smem:$0x3FC6] =	sst s2  }
0x8f: {  	_ = 	snop  }
0x90: {  	(tm) =	ssettm $0x1  }
0x91: {  	s17 =	sld [smem:$0x3FFB];
	_ =	sdelay $0x3  }
0x92: {  	_ =	strace s17  }
0x93: {  	s2 =	sld [smem:$0x3FFC];
	_ =	sdelay $0x3  }
0x94: {  	_ =	strace s2  }
0x95: {  	s2 =	sld [smem:$0x3FFD];
	_ =	sdelay $0x3  }
0x96: {  	_ =	strace s2  }
0x97: {  	_ =	strace $0x8FFFFFFF  }
0x98: {  	s18 =	sld [smem:$0x3FDB];
	_ =	sdelay $0x1  }
0x99: {  	s19 =	simm.s32 $_scs_section_size  }
0x9a: {  	s4 =	simm.s32 $_size__tile_overlayer_lowered;
	s5 =	simm.s32 $_tile_overlayer_lowered  }
0x9b: {  	s22 =	simm.s32 $0x1BFF;
	s21 =	sshll.u32 s5, $0x1;
	s2 =	sadd.s32 s19, s18  }
0x9c: {  	s6 =	simm.s32 $0x0;
	s20 =	sshll.u32 s4, $0x1;
	s4 =	sadd.s32 s21, s2  }
0x9d: {  	[timem:s6], [sflag:s22] =	dma.local [hbm:s4], s20  }
0x9e: {  	_ =	swait.ge [sflag:s22], s20  }
0x9f: {  	s3 =	ssub.s32 $0x0, s20;
	[sflag:s22] =	ssyncset.done $0x0  }
0xa0: {  	[sflag:s22] =	ssyncadd.s32 s3;
	_ =	sdelay $0x1  }
0xa1: {  	s23 =	simm.s32 $0x1B8B  }
0xa2: {  	_ =	swait.ge [sflag:s23], $0x1  }
0xa3: {  	[sflag:s23] =	ssyncset.done $0x0  }
0xa4: {  	s25 =	simm.s32 $0x1B8E;
	s24 =	sld [smem:$0x3FFE];
	[sflag:s23] =	ssyncadd.s32 $0xFFFFFFFF  }
0xa5: {  	s26 =	simm.s32 $execute0_lowered;
	[smem:$0x3FD2] =	sst s25  }
0xa6: {  	s4 =	sshll.u32 s26, $0x1;
	_ =	strace $0x80000046;
	[dreg:$0x1] =	wrdreg $0xFFFFFFFF  }
0xa7: {  	s28 =	simm.s32 $_size_execute0_lowered;
	s2 =	sadd.s32 s2, s4;
	[dreg:$0x0] =	wrdreg $0x0  }
0xa8: {  	s4 =	sshll.u32 s28, $0x1;
	[dreg:$0x2] =	wrdreg s2  }
0xa9: {  	[dreg:$0x3] =	wrdreg s4  }
0xaa: {  	[dreg:$0x4] =	wrdreg $0xC0  }
0xab: {  	_ =	task [dreg:s6], $0x5FFFF  }
0xac: {  	[dreg:$0x1] =	wrdreg $0xFFFFFFFF  }
0xad: {  	[dreg:$0x0] =	wrdreg $0x60  }
0xae: {  	[dreg:$0x2] =	wrdreg s24  }
0xaf: {  	[dreg:$0x3] =	wrdreg $0xB7800  }
0xb0: {  	[dreg:$0x4] =	wrdreg $0x9  }
0xb1: {  	_ =	task.clear_ibuf [dreg:s6], $0x5FFFF;
	_ =	strace $0x90000046  }
0xb2: {  	s29 =	simm.s32 $0x9;
	_ =	strace $0x80000048  }
0xb3: {  	_ =	swait.ge [sflag:s29], $0x1  }
0xb4: {  	[sflag:s29] =	ssyncadd.s32 $0xFFFFFFFF  }
0xb5: {  	_ =	strace $0x90000048  }
0xb6: {  	_ =	sfence  }
0xb7: {  	s30 =	sld [smem:$0x0];
	_ =	sdelay $0x2  }
0xb8: {  	s31 =	sshll.u32 s1, $0xD;
	s1 =	sshrl.u32 s1, $0x2  }
0xb9: {  	s3 =	sand.u32 $0x4000, s31;
	s1 =	sadd.s32 s1, s30  }
0xba: {  	s0 =	sor.u32 s3, s0;
	s1 =	sshll.u32 s1, $0x11  }
0xbb: {  	s0 =	sor.u32 s1, s0  }
0xbc: {  	s0 =	sadd.s32 $0x8F2B, s0  }
0xbd: {  	[sflag:s0] =	ssyncadd.remote.s32 $0x1  }
0xbe: {  	_ =	sfence.sel $0xFFFF  }
0xbf: {  	[dreg:$0x0] =	wrdreg $0xFFFFFFFF;
	(pc) =	sbr.abs _section_cstart, $3  }
0xc0: {  	[dreg:$0x1] =	wrdreg $0xFFFFFFFF  }
0xc1: {  	_ =	task.clear_ibuf [dreg:s6], $0x2FFFF;
	_ =	strace $0x9FFFFFFF  }
0xc2: {  	(tm) =	ssettm $0x7FFFFFFF  }
0xc3: {  	_ =	shalt  }
tec
execute0_lowered:
.L_overlay_start_1:
0x0: {  	(tag) =	ssettag $0x1  }
0x1: {  	v0 =	vimm.f32 $1.500000000e+01;
	vm0 =	vcmask $0x300  }
0x2: {  	v0 =	vsel vm0, $0x0, v0;
	vm0 =	vcmask $0x704  }
0x3: {  	v0 =	vsel vm0, $0x3F800000, v0;
	vm0 =	vcmask $0xB08  }
0x4: {  	v0 =	vsel vm0, $0x40000000, v0;
	vm0 =	vcmask $0xF0C  }
0x5: {  	s6 =	rddreg [dreg:$0x0];
	v0 =	vsel vm0, $0x40400000, v0;
	vm0 =	vcmask $0x1310  }
0x6: {  	s1 =	rddreg [dreg:$0x1];
	v0 =	vsel vm0, $0x40800000, v0;
	vm0 =	vcmask $0x1714  }
0x7: {  	s0 =	rddreg [dreg:$0x2];
	s3 =	simm.s32 $0x0;
	vm1 =	vcmask $0x31C;
	v0 =	vsel vm0, $0x40A00000, v0;
	vm0 =	vcmask $0x1B18  }
0x8: {  	s2 =	stileid.u32;
	s5 =	srdreg.scid;
	vm2 =	vcmask $0x71C;
	s14 =	simm.s32 $0xA00;
	v0 =	vsel vm0, $0x40C00000, v0;
	vm0 =	vcmask $0x1F1C  }
0x9: {  	vm3 =	vcmask $0xB1C;
	s15 =	simm.s32 $0xF00;
	s16 =	simm.s32 $0x1900;
	s18 =	simm.s32 $0x1E00;
	v0 =	vsel vm0, $0x40E00000, v0;
	vm0 =	vcmask $0x2320  }
0xa: {  	vm4 =	vcmask $0xF1C;
	s19 =	simm.s32 $0x1E80;
	[smem:$0x7FF] =	sst s3;
	s4 =	smul.u32 $0x500, s2;
	v0 =	vsel vm0, $0x41000000, v0;
	vm0 =	vcmask $0x2724  }
0xb: {  	vm5 =	vcmask $0x131C;
	s11 =	sand.u32 $0x1, s5;
	s5 =	sadd.s32 $0x3200, s6;
	s17 =	sshll.u32 s2, $0x6;
	v0 =	vsel vm0, $0x41100000, v0;
	vm0 =	vcmask $0x2B28  }
0xc: {  	v1 =	vlaneseq.u32;
	_ =	strace $0x80000047;
	s7 =	ssub.s32 $0x2, s11;
	s20 =	sor.u32 s2, s11;
	v0 =	vsel vm0, $0x41200000, v0;
	vm0 =	vcmask $0x2F2C  }
0xd: {  	vm6 =	vcmask $0x314;
	s17 =	sshrl.u32 s17, $0x2;
	s8 =	sshrl.u32 s4, $0x3;
	s9 =	sshrl.u32 s7, $0x1;
	v0 =	vsel vm0, $0x41300000, v0;
	vm0 =	vcmask $0x3330  }
0xe: {  	vm7 =	vcmask $0x714;
	s12 =	scvt.s32.f32 s4;
	p0 =	sne.s32 s20, $0x0;
	s6 =	sadd.s32 s6, s8;
	v0 =	vsel vm0, $0x41400000, v0;
	vm0 =	vcmask $0x3734  }
0xf: {  	vm8 =	vcmask $0xB14;
	s20 =	simm.s32 $0x0;
	s13 =	ssub.s32 s7, s9;
	s7 =	sadd.s32 $0x1E00, s6;
	v0 =	vsel vm0, $0x41500000, v0;
	vm0 =	vcmask $0x3B38  }
0x10: {  	vm9 =	vcmask $0xF14;
	v2 =	vmul.u32 $0x10, v1;
	s8 =	sadd.s32 $0x1400, s6;
	s9 =	sadd.s32 $0xA00, s6;
	s10 =	sadd.s32 $0x2800, s6;
	v0 =	vsel vm0, $0x41600000, v0  }
0x11: {  	v3 =	vor.u32 $0x80000000, v1;
	s11 =	smax.u32 s13, $0x1;
	s13 =	simm.s32 $0x500;
	vm0 =	vmmov $0x1;
	v0 =	vadd.f32 s12, v0;
	s12 =	simm.s32 $0x1  }
.LBB2_1:
0x12: {  	[tilespmem:s3], [sflag:$0x1] =	stream.linear.gather [hbm4b:s7+s3], $0x500, $0x38;
	[tilespmem:$0xB7A0] =	vst v63  }
0x13: {  	_ =	swait.ge [sflag:s12], $0x500  }
0x14: {  	[sflag:s12] =	ssyncset.done $0x0  }
0x15: {  	[sflag:s12] =	ssyncadd.s32 $0xFFFFFB00  }
0x16: {  	[tilespmem:s13], [sflag:$0x1] =	stream.linear.gather [hbm4b:s8+s3], $0x500, $0x38;
	[tilespmem:$0xB7A0] =	vst v63  }
0x17: {  	_ =	swait.ge [sflag:s12], $0x500  }
0x18: {  	[sflag:s12] =	ssyncset.done $0x0  }
0x19: {  	[sflag:s12] =	ssyncadd.s32 $0xFFFFFB00  }
0x1a: {  	[tilespmem:s14], [sflag:$0x1] =	stream.linear.gather [hbm4b:s9+s3], $0x500, $0x38;
	[tilespmem:$0xB7A0] =	vst v63  }
0x1b: {  	_ =	swait.ge [sflag:s12], $0x500  }
0x1c: {  	[sflag:s12] =	ssyncset.done $0x0  }
0x1d: {  	[sflag:s12] =	ssyncadd.s32 $0xFFFFFB00  }
0x1e: {  	[tilespmem:s15], [sflag:$0x1] =	stream.linear.gather [hbm4b:s6+s3], $0x500, $0x38;
	[tilespmem:$0xB7A0] =	vst v63  }
0x1f: {  	_ =	swait.ge [sflag:s12], $0x500  }
0x20: {  	[sflag:s12] =	ssyncset.done $0x0  }
0x21: {  	[sflag:s12] =	ssyncadd.s32 $0xFFFFFB00  }
0x22: {  	[tilespmem:s16], [sflag:$0x1] =	stream.linear.gather [hbm4b:s10+s3], $0x500, $0x38;
	[tilespmem:$0xB7A0] =	vst v63  }
0x23: {  	_ =	swait.ge [sflag:s12], $0x500  }
0x24: {  	[sflag:s12] =	ssyncset.done $0x0  }
0x25: {  	s21 =	simm.s32 $0x0;
	[sflag:s12] =	ssyncadd.s32 $0xFFFFFB00  }
0x26: {  	v5 =	vld [tilespmem:s21+$0xA00]  }
0x27: {  	v7 =	vld [tilespmem:s21+$0x0]  }
0x28: {  	v8 =	vld [tilespmem:s21+$0xF00]  }
0x29: {  	v9 =	vld [tilespmem:s21+$0x500];
	_ =	sdelay $0x1  }
0x2a: {  	s22 =	simm.s32 $0x10  }
0x2b: {  	v4 =	vld [tilespmem:s22+$0xA00]  }
0x2c: {  	v6 =	vld [tilespmem:s22+$0x0]  }
0x2d: {  	v10 =	vsub.f32 v5, v7;
	v8 =	vsub.f32 v8, v9;
	v5 =	vld [tilespmem:s22+$0xF00]  }
0x2e: {  	v7 =	vld [tilespmem:s22+$0x500]  }
0x2f: {  	s23 =	simm.s32 $0x80;
	v8 =	vmul.f32 v8, v10  }
.LBB2_2:
0x30: {  	s24 =	sshra.s32 s23, $0x2;
	v9 =	vmov v4;
	p1 =	sne.s32 s23, $0x13C0  }
.Ltmp0:
0x31: {  	v4 =	vld [tilespmem:s24+$0xA00];
	[tilespmem:s21+$0x1400] =	vst v8;
	v8 =	vmov v6;
	s21 =	smov.u32 s22;
	s22 =	smov.u32 s24;
	(pc) =	sbr.rel @p1 .LBB2_2-.Ltmp0, $4  }
0x32: {  	v6 =	vld [tilespmem:s22+$0x0]  }
0x33: {  	s23 =	sadd.s32 $0x40, s23;
	v8 =	vsub.f32 v9, v8;
	v9 =	vsub.f32 v5, v7;
	v5 =	vld [tilespmem:s22+$0xF00]  }
0x34: {  	v7 =	vld [tilespmem:s22+$0x500]  }
0x35: {  	v8 =	vmul.f32 v9, v8  }
0x36: {  	_ =	sdelay $0x2  }
0x37: {  	v4 =	vsub.f32 v4, v6;
	v5 =	vsub.f32 v5, v7;
	_ =	sdelay $0x1  }
0x38: {  	v4 =	vmul.f32 v5, v4  }
0x39: {  	[tilespmem:s21+$0x1400] =	vst v8  }
0x3a: {  	[tilespmem:s22+$0x1400] =	vst v4  }
0x3b: {  	v4 =	vld.msk [tilespmem:s16+$0x0], $0xffff;
	_ =	sdelay $0x4  }
0x3c: {  	(v2sf) =	vpush v4, $0x0;
	_ =	sdelay $0xc  }
0x3d: {  	s24 =	simm.f32 $3.000000000e+09  }
0x3e: {  	s28 =	simm.f32 $0.0e+00;
	s25 =	simm.f32 $3.000000000e+09;
	s23 =	simm.f32 $3.000000000e+09  }
0x3f: {  	s26 =	simm.f32 $3.000000000e+09;
	s22 =	simm.s32 $0x0;
	s21 =	spop (v2sf)  }
.LBB2_4:
0x40: {  	s29 =	simm.s32 $0x510  }
0x41: {  	s30 =	simm.s32 $0x10;
	v4 =	vld [tilespmem:s29+$0x0]  }
0x42: {  	v10 =	vld [tilespmem:s30+$0xFFFFFFF0]  }
0x43: {  	s31 =	simm.s32 $0xF10;
	v11 =	vld [tilespmem:s29+$0xFFFFFFF0]  }
0x44: {  	v12 =	vld [tilespmem:s31+$0xFFFFFFF0]  }
0x45: {  	v14 =	vld [tilespmem:s31+$0x0]  }
0x46: {  	s29 =	simm.s32 $0xA10;
	v15 =	vld [tilespmem:s30+$0x0]  }
0x47: {  	v13 =	vld [tilespmem:s29+$0xFFFFFFF0]  }
0x48: {  	v16 =	vld [tilespmem:s29+$0x0]  }
0x49: {  	v6 =	vmov s26;
	v8 =	vmov s23;
	v7 =	vmov s25;
	s25 =	simm.s32 $0x1410  }
0x4a: {  	v9 =	vmov s24;
	v18 =	vld [tilespmem:s25+$0x0];
	v17 =	vmax.f32 v4, v8;
	v4 =	vmax.f32 v10, v6  }
0x4b: {  	s23 =	simm.s32 $0x530;
	v10 =	vld [tilespmem:s25+$0xFFFFFFF0];
	v11 =	vmax.f32 v11, v8;
	v12 =	vmin.f32 v12, v9;
	v14 =	vmin.f32 v14, v9  }
0x4c: {  	s26 =	simm.s32 $0xF30;
	v24 =	vld [tilespmem:s23+$0xFFFFFFF0];
	v13 =	vmin.f32 v13, v7;
	v11 =	vsub.f32 v12, v11;
	v14 =	vsub.f32 v14, v17  }
0x4d: {  	v23 =	vld [tilespmem:s26+$0xFFFFFFF0];
	v12 =	vmax.f32 v15, v6;
	v15 =	vmin.f32 v16, v7;
	v13 =	vsub.f32 v13, v4  }
0x4e: {  	v5 =	vmov s28;
	v15 =	vsub.f32 v15, v12  }
0x4f: {  	s28 =	simm.s32 $0xA30;
	v19 =	vld [tilespmem:s26+$0x0];
	v11 =	vmax.f32 v11, $0.0e+00;
	v14 =	vmax.f32 v14, $0.0e+00;
	v13 =	vmax.f32 v13, $0.0e+00  }
0x50: {  	v22 =	vld [tilespmem:s28+$0xFFFFFFF0];
	v15 =	vmax.f32 v15, $0.0e+00;
	v21 =	vmul.f32 v11, v13;
	v11 =	vadd.f32 v10, v5  }
0x51: {  	s25 =	simm.s32 $0x30;
	v24 =	vmax.f32 v24, v8;
	v17 =	vld [tilespmem:s23+$0x0];
	v15 =	vmul.f32 v14, v15;
	v14 =	vadd.f32 v18, v5  }
0x52: {  	s26 =	simm.s32 $0x1910;
	v23 =	vmin.f32 v23, v9;
	v16 =	vld [tilespmem:s25+$0xFFFFFFF0];
	v4 =	vadd.f32 $1.600000000e+01, v0;
	v20 =	vsub.f32 v11, v21  }
0x53: {  	v28 =	vld [tilespmem:s26+$0xFFFFFFF0];
	v26 =	vsub.f32 v23, v24;
	v14 =	vsub.f32 v14, v15  }
0x54: {  	v27 =	vld [tilespmem:s25+$0x0];
	v10 =	vadd.f32 $1.600000000e+01, v4;
	v18 =	vmin.f32 v19, v9;
	v19 =	vadd.f32 $9.999999710e-10, v20  }
0x55: {  	v12 =	vimm.f32 $4.000000000e+09;
	v13 =	vimm.f32 $-3.399999950e+38;
	v14 =	vadd.f32 $9.999999710e-10, v14  }
0x56: {  	s29 =	simm.s32 $0x1430;
	v17 =	vmax.f32 v17, v8;
	v11 =	vadd.f32 $1.600000000e+01, v10;
	v20 =	vld [tilespmem:s28+$0x0];
	v19 =	vmul.f32 $5.000000000e-01, v19  }
0x57: {  	v25 =	vmax.f32 v16, v6;
	v18 =	vsub.f32 v18, v17;
	v17 =	vmin.f32 v22, v7;
	v22 =	vld [tilespmem:s29+$0xFFFFFFF0]  }
0x58: {  	v25 =	vsub.f32 v17, v25;
	v16 =	vadd.f32 $1.600000000e+01, v11;
	vm10 =	vgt.f32 v21, v19;
	v19 =	vld [tilespmem:s26+$0x0]  }
0x59: {  	s24 =	simm.s32 $0x1910;
	s30 =	simm.s32 $0x20;
	s31 =	simm.s32 $0xF50;
	v24 =	vmax.f32 v27, v6;
	v23 =	vmul.f32 $5.000000000e-01, v14;
	v21 =	vld [tilespmem:s29+$0x0];
	v14 =	vmovc v0;
	v17 =	vsel vm10, $0xF149F2CA, v28  }
.LBB2_5:
0x5a: {  	v27 =	vadd.f32 $1.600000000e+01, v16;
	v28 =	vld [tilespmem:s31+$0x0];
	s30 =	sadd.s32 $0x20, s30;
	v25 =	vmax.f32 v25, $0.0e+00;
	v26 =	vmax.f32 v26, $0.0e+00;
	s23 =	sadd.s32 $0x20, s23;
	s26 =	sadd.s32 $0x20, s26  }
0x5b: {  	v20 =	vmin.f32 v20, v7;
	s25 =	sadd.s32 $0x20, s25;
	v29 =	vld [tilespmem:s23+$0x0];
	p1 =	slt.u32 s30, $0x4E0;
	v30 =	vmul.f32 v26, v25;
	vm10 =	vgt.f32 v15, v23  }
0x5c: {  	v18 =	vmax.f32 v18, $0.0e+00;
	v15 =	vadd.f32 v22, v5;
	v20 =	vsub.f32 v20, v24;
	v23 =	vld [tilespmem:s25+$0xFFFFFFF0]  }
0x5d: {  	s28 =	sadd.s32 $0x20, s28;
	vm11 =	vgt.f32 v17, v13;
	v13 =	vmax.f32 v13, v17;
	v24 =	vld [tilespmem:s31+$0xFFFFFFF0];
	[tilespmem:s24+$0xFFFFFFF0] =	vst v17;
	v17 =	vsel vm10, $0xF149F2CA, v19  }
0x5e: {  	v12 =	vsel vm11, v14, v12;
	v14 =	vmovc v10;
	v22 =	vsub.f32 v15, v30;
	v15 =	vmax.f32 v20, $0.0e+00;
	v19 =	vld [tilespmem:s28+$0xFFFFFFF0];
	[tilespmem:s24+$0x0] =	vst v17;
	s24 =	smov.u32 s26  }
0x5f: {  	v10 =	vmovc v16;
	v15 =	vmul.f32 v18, v15;
	v21 =	vadd.f32 v21, v5;
	vm10 =	vgt.f32 v17, v13;
	v25 =	vld [tilespmem:s23+$0xFFFFFFF0]  }
0x60: {  	v18 =	vmin.f32 v28, v9;
	v26 =	vadd.f32 $9.999999710e-10, v22;
	v31 =	vld [tilespmem:s25+$0x0];
	v16 =	vmax.f32 v29, v8  }
0x61: {  	v12 =	vsel vm10, v4, v12;
	v4 =	vmovc v11;
	v23 =	vmax.f32 v23, v6;
	v18 =	vsub.f32 v18, v16;
	v28 =	vld [tilespmem:s26+$0xFFFFFFF0]  }
.Ltmp1:
0x62: {  	s29 =	sadd.s32 $0x20, s29;
	v13 =	vmax.f32 v13, v17;
	v11 =	vmovc v27;
	v21 =	vsub.f32 v21, v15;
	v16 =	vadd.f32 $1.600000000e+01, v27;
	v20 =	vld [tilespmem:s28+$0x0];
	(pc) =	sbr.rel @p1 .LBB2_5-.Ltmp1, $4  }
0x63: {  	v17 =	vmin.f32 v19, v7;
	v22 =	vld [tilespmem:s29+$0xFFFFFFF0];
	v19 =	vmul.f32 $5.000000000e-01, v26  }
0x64: {  	v24 =	vmin.f32 v24, v9;
	v27 =	vadd.f32 $9.999999710e-10, v21;
	v26 =	vmax.f32 v25, v8  }
0x65: {  	v25 =	vsub.f32 v17, v23;
	v26 =	vsub.f32 v24, v26;
	vm10 =	vgt.f32 v30, v19;
	v19 =	vld [tilespmem:s26+$0x0]  }
0x66: {  	s31 =	sadd.s32 $0x20, s31;
	v23 =	vmul.f32 $5.000000000e-01, v27;
	v24 =	vmax.f32 v31, v6;
	v21 =	vld [tilespmem:s29+$0x0];
	v17 =	vsel vm10, $0xF149F2CA, v28  }
0x67: {  	v6 =	vmin.f32 v20, v7  }
0x68: {  	v6 =	vsub.f32 v6, v24  }
0x69: {  	v51 =	vmax.f32 v25, $0.0e+00;
	v8 =	vmax.f32 v26, $0.0e+00;
	v9 =	vmax.f32 v18, $0.0e+00  }
0x6a: {  	v7 =	vmul.f32 v8, v51;
	v52 =	vadd.f32 v22, v5;
	v6 =	vmax.f32 v6, $0.0e+00  }
0x6b: {  	v6 =	vmul.f32 v9, v6;
	v5 =	vadd.f32 v21, v5  }
0x6c: {  	v8 =	vsub.f32 v52, v7  }
0x6d: {  	s23 =	sadd.s32 $0x20, s26;
	v5 =	vsub.f32 v5, v6  }
0x6e: {  	v53 =	vld [tilespmem:s23+$0xFFFFFFF0];
	v8 =	vadd.f32 $9.999999710e-10, v8  }
0x6f: {  	v16 =	vld [tilespmem:s23+$0x0];
	v5 =	vadd.f32 $9.999999710e-10, v5  }
0x70: {  	v8 =	vmul.f32 $5.000000000e-01, v8  }
0x71: {  	vm10 =	vgt.f32 v15, v23;
	v5 =	vmul.f32 $5.000000000e-01, v5  }
0x72: {  	v54 =	vmax.f32 v13, v17;
	v55 =	vsel vm10, $0xF149F2CA, v19;
	vm10 =	vgt.f32 v7, v8  }
0x73: {  	v56 =	vmax.f32 v54, v55;
	v8 =	vsel vm10, $0xF149F2CA, v53;
	vm10 =	vgt.f32 v6, v5  }
0x74: {  	v5 =	vmax.f32 v56, v8;
	v6 =	vsel vm10, $0xF149F2CA, v16  }
0x75: {  	v57 =	vmax.f32 v5, v6  }
0x76: {  	(xrf0) =	vmax.scan.msk.f32 $0xffff, v57;
	_ =	sdelay $0x4  }
0x77: {  	vm10 =	vgt.f32 v17, v13  }
0x78: {  	v12 =	vsel vm10, v14, v12;
	vm10 =	vgt.f32 v55, v54;
	v58, _, _ =	vpop (xrf0)  }
0x79: {  	v4 =	vsel vm10, v4, v12;
	vm10 =	vgt.f32 v8, v56;
	v59 =	vbroadcast v58, $0xF  }
0x7a: {  	v4 =	vsel vm10, v10, v4;
	vm10 =	vgt.f32 v6, v5  }
0x7b: {  	v4 =	vsel vm10, v11, v4;
	vm10 =	veq.f32 v57, v59  }
0x7c: {  	v4 =	vnsel vm10, $0x4F6E6B28, v4  }
0x7d: {  	(xrf0) =	vmin.scan.msk.f32 $0xffff, v4;
	_ =	sdelay $0x5  }
0x7e: {  	(v2sf) =	vpush v58, $0xF;
	v4, _, _ =	vpop (xrf0)  }
0x7f: {  	(v2sf) =	vpush v4, $0xF;
	_ =	sdelay $0xd  }
0x80: {  	s25 =	spop (v2sf)  }
0x81: {  	s31 =	spop (v2sf)  }
0x82: {  	s26 =	scvt.f32.s32 s31;
	_ =	sdelay $0x1  }
0x83: {  	s26 =	ssub.s32 s26, s4  }
0x84: {  	v5 =	vmov s26  }
0x85: {  	[tilespmem:s24+$0xFFFFFFF0] =	vst v17  }
0x86: {  	[tilespmem:s24+$0x0] =	vst v55  }
0x87: {  	[tilespmem:s23+$0xFFFFFFF0] =	vst v8  }
0x88: {  	[tilespmem:s23+$0x0] =	vst v6  }
0x89: {  	v6 =	vld.idx.msk [tilespmem:v5+s3+$0x0], $0xffff  }
0x8a: {  	v8 =	vld.idx.msk [tilespmem:v5+s13+$0x0], $0xffff  }
0x8b: {  	v4 =	vbroadcast v4, $0xF;
	v60 =	vld.idx.msk [tilespmem:v5+s14+$0x0], $0xffff  }
0x8c: {  	v7 =	vnsel vm0, $0x0, v59;
	v5 =	vld.idx.msk [tilespmem:v5+s15+$0x0], $0xffff  }
0x8d: {  	v4 =	vsel vm1, v7, v4  }
0x8e: {  	v4 =	vsel vm2, v4, v6  }
0x8f: {  	p1 =	seq.f32 s25, $-1.000000020e+30;
	v4 =	vsel vm3, v4, v8  }
0x90: {  	s29 =	sshll.u32 s22, $0x8;
	v4 =	vsel vm4, v4, v60  }
0x91: {  	s23 =	sand.u32 $0x100, s29;
	vm10 =	veq.s32 v1, $0x6;
	s25 =	smov.u32 @p1 s21;
	v4 =	vsel vm5, v4, v5  }
0x92: {  	s23 =	sadd.s32 s23, s1;
	v4 =	vsel vm10, s25, v4  }
0x93: {  	s30 =	sadd.s32 s17, s23;
	[tilespmem:$0x1E00] =	vst v4  }
0x94: {  	[spmem:s30] =	stream.linear.scatter [tilespmem:s18], [sflag:$0x1], $0x10, $0x38;
	[tilespmem:$0xB7A0] =	vst v63  }
0x95: {  	_ =	swait.ge [sflag:s12], $0x10  }
0x96: {  	[sflag:s12] =	ssyncset.done $0x0  }
0x97: {  	[sflag:s12] =	ssyncadd.s32 $0xFFFFFFF0  }
0x98: {  	[bflag:$0x0] =	sbarrier.arrive $0xFFFF  }
0x99: {  	[tilespmem:s19], [sflag:$0x1] =	stream.linear.gather [spmem:s23], $0x100, $0x38;
	[tilespmem:$0xB7A0] =	vst v63  }
0x9a: {  	_ =	swait.ge [sflag:s12], $0x100  }
0x9b: {  	[sflag:s12] =	ssyncset.done $0x0  }
0x9c: {  	[sflag:s12] =	ssyncadd.s32 $0xFFFFFF00  }
0x9d: {  	v4 =	vld.idx.msk [tilespmem:v2+s19+$0x0], $0xffff;
	_ =	sdelay $0x4  }
0x9e: {  	(xrf0) =	vmax.scan.msk.f32 $0xffff, v4;
	_ =	sdelay $0x5  }
0x9f: {  	v5, _, _ =	vpop (xrf0)  }
0xa0: {  	v5 =	vbroadcast v5, $0xF;
	_ =	sdelay $0x1  }
0xa1: {  	vm10 =	veq.f32 v4, v5  }
0xa2: {  	v4 =	vnsel vm10, $0x80000010, v3  }
0xa3: {  	(xrf0) =	vmin.scan.msk.u32 $0xffff, v4;
	_ =	sdelay $0x5  }
0xa4: {  	v4, _, _ =	vpop (xrf0)  }
0xa5: {  	(v2sf) =	vpush v4, $0xF;
	_ =	sdelay $0xe  }
0xa6: {  	s31 =	spop (v2sf)  }
0xa7: {  	s23 =	sshll.u32 s31, $0x4  }
0xa8: {  	v4 =	vor.u32 s23, v1;
	_ =	sdelay $0x4  }
0xa9: {  	v4 =	vld.idx.msk [tilespmem:v4+s19+$0x0], $0xffff;
	_ =	sdelay $0x4  }
0xaa: {  	(v2sf) =	vpush v4, $0x2  }
0xab: {  	(v2sf) =	vpush v4, $0x3  }
0xac: {  	(v2sf) =	vpush v4, $0x4  }
0xad: {  	(v2sf) =	vpush v4, $0x5;
	_ =	sdelay $0xa  }
0xae: {  	v5 =	vbroadcast v4, $0x2  }
0xaf: {  	s29 =	sshll.u32 s22, $0x7;
	s22 =	sadd.s32 $0x1, s22;
	v61 =	vbroadcast v4, $0x3;
	s26 =	spop (v2sf)  }
0xb0: {  	p1 =	sne.s32 s22, $0x12C;
	v62 =	vbroadcast v4, $0x4;
	v5 =	vnsel vm0, $0x0, v5;
	s23 =	spop (v2sf)  }
.Ltmp2:
0xb1: {  	v63 =	vbroadcast v4, $0x5;
	v5 =	vsel vm6, v5, v61;
	s25 =	spop (v2sf);
	(pc) =	sbr.rel @p1 .LBB2_4-.Ltmp2, $4  }
0xb2: {  	v4 =	vbroadcast v4, $0x6;
	v5 =	vsel vm7, v5, v62;
	s24 =	spop (v2sf);
	s28 =	ssub.f32 s25, s26  }
0xb3: {  	v5 =	vsel vm8, v5, v63;
	s30 =	ssub.f32 s24, s23  }
0xb4: {  	s29 =	sand.u32 $0x3FFFFF80, s29;
	v4 =	vsel vm9, v5, v4  }
0xb5: {  	[tilespmem:s29+$0x1F80] =	vst v4;
	s28 =	smul.f32 s30, s28  }
0xb6: {  	s21 =	simm.s32 @!p0 $0x0;
	s22 =	simm.s32 @!p0 $0x1F80;
	s20 =	sadd.s32 $0x1, s20  }
0xb7: {  	[hbm4b:s5+s21] =	stream.linear.scatter @!p0 [tilespmem:s22], [sflag:$0x1], $0x9600, $0x38;
	[tilespmem:$0xB7A0] =	vst v63  }
0xb8: {  	p1 =	sne.s32 s20, s11  }
.Ltmp3:
0xb9: {  	_ = 	snop;
	(pc) =	sbr.rel @p1 .LBB2_1-.Ltmp3, $4  }
0xba: {  	s21 =	simm.s32 @!p0 $0x1  }
0xbb: {  	_ =	swait.ge @!p0 [sflag:s21], $0x9600  }
0xbc: {  	[sflag:s21] =	ssyncset.done @!p0 $0x0  }
0xbd: {  	[sflag:s21] =	ssyncadd.s32 @!p0 $0xFFFF6A00  }
0xbe: {  	_ =	sfence.sel $0x180000  }
0xbf: {  	[bflag:$0x0] =	sbarrier.arrive $0xFFFF  }
0xc0: {  	p0 =	sne.s32 s2, $0x0;
	_ =	strace $0x90000047  }
0xc1: {  	s0 =	sadd.s32 @!p0 $0x100000, s0;
	[bflag:$0x2] =	sbarrier.arrive $0xFFFF  }
0xc2: {  	[sflag:s0] =	ssyncadd.tile.s32 @!p0 $0x1;
	_ =	shalt  }
.Lfunc_end2:
_tile_overlayer_lowered:
.L_overlay_start_2:
0xc3: {  	(tag) =	ssettag $0x2  }
0xc4: {  	s0 =	rddreg [dreg:$0x0];
	s2 =	stileid.u32  }
0xc5: {  	s1 =	rddreg [dreg:$0x1];
	p0 =	sne.s32 s2, $0x0  }
0xc6: {  	s3 =	rddreg [dreg:$0x2];
	[bflag:$0x3] =	sbarrier.arrive $0xFFFF;
	s2 =	simm.s32 @!p0 $0x1C01  }
0xc7: {  	[timem:s3], [sflag:s2] =	dma.local @!p0 [hbm:s0], s1  }
0xc8: {  	s0 =	simm.s32 @!p0 $0x1  }
0xc9: {  	_ =	swait.ge @!p0 [sflag:s0], s1  }
0xca: {  	s1 =	ssub.s32 @!p0 $0x0, s1;
	[sflag:s0] =	ssyncset.done @!p0 $0x0  }
0xcb: {  	[sflag:s0] =	ssyncadd.s32 @!p0 s1  }
0xcc: {  	[bflag:$0x3] =	sbarrier.arrive $0xFFFF  }
0xcd: {  	_ =	shalt  }

</sc_bundles>
